<compile_context>
chip_gen: v7x
topology: tpu7x:2x2x1
jax: 0.10.2.dev20260603
libtpu: 0.0.44.dev20260713+nightly
codegen_flags: <defaults>
</compile_context>

<pallas_src>
import jax
import jax.numpy as jnp
from jax import lax
from jax.experimental import pallas as pl
from jax.experimental.pallas import tpu as pltpu
from jax.experimental.pallas import tpu_sc as plsc

N_NODES = 10000
N_EDGES = 320000
D = 128

NC = 2
NS = 16
NW = NC * NS
E_PER_W = N_EDGES // NW
CHUNK = 80
N_CHUNKS = E_PER_W // CHUNK
N_PAD = 10240
ROWS_PER_TILE = N_PAD // NS


def _sc_body(x_hbm, src_hbm, dst_hbm, zrow_hbm, zcnt_hbm,
             part_hbm, cnt_hbm,
             acc_sh, cnt_sh, src_v, dst_v, rows_v, ones_v, gsem):
  cid = lax.axis_index("c")
  sid = lax.axis_index("s")
  wid = cid * NS + sid

  pltpu.sync_copy(zrow_hbm.at[pl.ds(sid * ROWS_PER_TILE, ROWS_PER_TILE)],
                  acc_sh.at[pl.ds(sid * ROWS_PER_TILE, ROWS_PER_TILE)])

  @pl.when(sid == 0)
  def _():
    pltpu.sync_copy(zcnt_hbm, cnt_sh)

  pltpu.sync_copy(src_hbm.at[wid], src_v)
  pltpu.sync_copy(dst_hbm.at[wid], dst_v)

  for k in range(CHUNK // 16):
    ones_v[pl.ds(k * 16, 16)] = jnp.full((16,), 1.0, dtype=jnp.float32)

  plsc.subcore_barrier()

  def chunk_step(j, carry):
    g = pltpu.async_copy(x_hbm.at[src_v.at[j]], rows_v, gsem)
    pltpu.sync_copy(ones_v, cnt_sh.at[dst_v.at[j]], add=True)
    g.wait()
    pltpu.sync_copy(rows_v, acc_sh.at[dst_v.at[j]], add=True)
    return carry

  lax.fori_loop(0, N_CHUNKS, chunk_step, 0)

  plsc.subcore_barrier()

  pltpu.sync_copy(acc_sh.at[pl.ds(sid * ROWS_PER_TILE, ROWS_PER_TILE)],
                  part_hbm.at[cid, pl.ds(sid * ROWS_PER_TILE, ROWS_PER_TILE)])

  @pl.when(sid == 0)
  def _():
    pltpu.sync_copy(cnt_sh, cnt_hbm.at[cid])


@jax.jit
def _sc_segment_sum(x, src3, dst3):
  mesh = plsc.VectorSubcoreMesh(core_axis_name="c", subcore_axis_name="s")
  zrow = jnp.zeros((N_PAD, D), jnp.float32)
  zcnt = jnp.zeros((N_PAD,), jnp.float32)
  k = pl.kernel(
      _sc_body,
      out_type=[
          jax.ShapeDtypeStruct((NC, N_PAD, D), jnp.float32),
          jax.ShapeDtypeStruct((NC, N_PAD), jnp.float32),
      ],
      mesh=mesh,
      scratch_types=[
          pltpu.VMEM_SHARED((N_PAD, D), jnp.float32),
          pltpu.VMEM_SHARED((N_PAD,), jnp.float32),
          pltpu.VMEM((N_CHUNKS, CHUNK), jnp.int32),
          pltpu.VMEM((N_CHUNKS, CHUNK), jnp.int32),
          pltpu.VMEM((CHUNK, D), jnp.float32),
          pltpu.VMEM((CHUNK,), jnp.float32),
          pltpu.SemaphoreType.DMA,
      ],
  )
  return k(x, src3, dst3, zrow, zcnt)


def _tc_body(part_ref, cnt_ref, x_ref, wl_ref, bl_ref, wr_ref, out_ref):
  summed = part_ref[0] + part_ref[1]
  counts = cnt_ref[0] + cnt_ref[1]
  mean = summed * (1.0 / jnp.maximum(counts, 1.0))
  out_ref[...] = (
      jnp.dot(mean, wl_ref[...], preferred_element_type=jnp.float32)
      + jnp.dot(x_ref[...], wr_ref[...], preferred_element_type=jnp.float32)
      + bl_ref[...]
  )


@jax.jit
def _tc_combine(part, cnt, x, W_l, b_l, W_r):
  R = 1000
  grid = (N_NODES // R,)
  return pl.pallas_call(
      _tc_body,
      grid=grid,
      in_specs=[
          pl.BlockSpec((NC, R, D), lambda i: (0, i, 0)),
          pl.BlockSpec((NC, R, 1), lambda i: (0, i, 0)),
          pl.BlockSpec((R, D), lambda i: (i, 0)),
          pl.BlockSpec((D, D), lambda i: (0, 0)),
          pl.BlockSpec((1, D), lambda i: (0, 0)),
          pl.BlockSpec((D, D), lambda i: (0, 0)),
      ],
      out_specs=pl.BlockSpec((R, D), lambda i: (i, 0)),
      out_shape=jax.ShapeDtypeStruct((N_NODES, D), jnp.float32),
  )(part, cnt.reshape(NC, N_PAD, 1), x, W_l, b_l.reshape(1, D), W_r)


def kernel(x, edge_index, W_l, b_l, W_r):
  ei = edge_index.astype(jnp.int32).reshape(2, NW, N_CHUNKS, CHUNK)
  part, cnt = _sc_segment_sum(x, ei[0], ei[1])
  return _tc_combine(part, cnt, x, W_l, b_l, W_r)

# --- scband reference (transcript-rebuilt; emitter-appended) ---
"""Pipeline reference for scband-graph-sage-34626026341043 (READ-ONLY COPY).

The authoritative reference and input builder live on the scoring server;
editing this copy changes nothing except your own understanding.
"""

import jax, jax.numpy as jnp
import numpy as np

N_NODES = 10000
N_EDGES = 320000
D_IN = 128
D_OUT = 128

def setup_inputs(seed: int = 0) -> dict:
    key = jax.random.key(seed)
    k_x, k_e, k_wl, k_bl, k_wr = jax.random.split(key, 5)
    x = jax.random.normal(k_x, (N_NODES, D_IN), dtype=jnp.float32)
    edge_index = jax.random.randint(k_e, (2, N_EDGES), 0, N_NODES, dtype=jnp.int64)
    # SAGEConv learned params: lin_l (applied to aggregated neighbors, with bias),
    # lin_r (root/self weight, no bias) -- matches PyG SAGEConv defaults.
    scale = 1.0 / np.sqrt(D_IN)
    W_l = jax.random.uniform(k_wl, (D_IN, D_OUT), dtype=jnp.float32, minval=-scale, maxval=scale)
    b_l = jax.random.uniform(k_bl, (D_OUT,), dtype=jnp.float32, minval=-scale, maxval=scale)
    W_r = jax.random.uniform(k_wr, (D_IN, D_OUT), dtype=jnp.float32, minval=-scale, maxval=scale)
    return {"x": x, "edge_index": edge_index, "W_l": W_l, "b_l": b_l, "W_r": W_r}

def reference(x, edge_index, W_l, b_l, W_r):
    # GraphSAGE layer (PyG SAGEConv, mean aggregation):
    #   out = lin_l(mean_{j in N(i)} x_j) + lin_r(x_i)
    src = edge_index[0]
    dst = edge_index[1]
    msgs = jnp.take(x, src, axis=0)                     # gather: [E, D_IN]
    summed = jax.ops.segment_sum(msgs, dst, num_segments=N_NODES)   # scatter-add
    counts = jax.ops.segment_sum(jnp.ones((msgs.shape[0],), dtype=x.dtype), dst, num_segments=N_NODES)
    mean_aggr = summed / jnp.maximum(counts, 1.0)[:, None]
    out = mean_aggr @ W_l + b_l + x @ W_r
    return out

if __name__ == "__main__":
    import jax
    _d = setup_inputs()
    print(jax.jit(kernel)(*tuple(_d.values())))

</pallas_src>

<mosaic_0001>
#map = affine_map<(d0, d1) -> (0, 0)>
#map1 = affine_map<(d0, d1) -> (0, 0, 0)>
#map2 = affine_map<(d0, d1) -> (0)>
module attributes {stable_mosaic.version = 14 : i64} {
  func.func @_sc_body(%arg0: i32, %arg1: i32, %arg2: memref<10000x128xf32, #tpu.memory_space<hbm>>, %arg3: memref<32x125x80xi32, #tpu.memory_space<hbm>>, %arg4: memref<32x125x80xi32, #tpu.memory_space<hbm>>, %arg5: memref<10240x128xf32, #tpu.memory_space<hbm>>, %arg6: memref<10240xf32, #tpu.memory_space<hbm>>, %arg7: memref<2x10240x128xf32, #tpu.memory_space<hbm>>, %arg8: memref<2x10240xf32, #tpu.memory_space<hbm>>, %arg9: memref<10240x128xf32, #tpu.memory_space<vmem_shared>>, %arg10: memref<10240xf32, #tpu.memory_space<vmem_shared>>, %arg11: memref<125x80xi32, #tpu.memory_space<vmem>>, %arg12: memref<125x80xi32, #tpu.memory_space<vmem>>, %arg13: memref<80x128xf32, #tpu.memory_space<vmem>>, %arg14: memref<80xf32, #tpu.memory_space<vmem>>, %arg15: memref<!tpu.dma_semaphore, #tpu.memory_space<semaphore_mem>>) attributes {dimension_semantics = [#tpu.dimension_semantics<core_parallel>, #tpu.dimension_semantics<subcore_parallel>], iteration_bounds = array<i64: 2, 16>, scalar_prefetch = 0 : i64, scratch_operands = 7 : i64, tpu.core_type = #tpu.core_type<sc_vector_subcore>, window_params = [{transform_indices = #map}, {transform_indices = #map1}, {transform_indices = #map1}, {transform_indices = #map}, {transform_indices = #map2}, {transform_indices = #map1}, {transform_indices = #map}]} {
    %mul3A = arith.constant 16 : i32
    %mul3A_0 = arith.muli %arg0, %mul3A : i32
    %add3A = arith.addi %mul3A_0, %arg1 : i32
    %mul3A_1 = arith.constant 640 : i32
    %mul3A_2 = arith.muli %arg1, %mul3A_1 : i32
    %mul3A_3 = arith.constant 640 : i32
    %mul3A_4 = arith.muli %arg1, %mul3A_3 : i32
    "tpu.region"() ({
      %run_scoped3A = tpu.sem_alloc : memref<!tpu.dma_semaphore, #tpu.memory_space<semaphore_mem>>
      %dma_start3A = arith.constant 0 : i32
      %dma_start3A_50 = tpu.memref_slice %arg9[%mul3A_4, %dma_start3A] : memref<10240x128xf32, #tpu.memory_space<vmem_shared>> -> memref<640x128xf32, #tpu.memory_space<vmem_shared>>
      %dma_start3A_51 = arith.constant 0 : i32
      %dma_start3A_52 = tpu.memref_slice %arg5[%mul3A_2, %dma_start3A_51] : memref<10240x128xf32, #tpu.memory_space<hbm>> -> memref<640x128xf32, #tpu.memory_space<hbm>>
      tpu.enqueue_dma source(%dma_start3A_52 : memref<640x128xf32, #tpu.memory_space<hbm>>) target(%dma_start3A_50 : memref<640x128xf32, #tpu.memory_space<vmem_shared>>) target_semaphore(%run_scoped3A : memref<!tpu.dma_semaphore, #tpu.memory_space<semaphore_mem>>)
      %dma_wait3A = arith.constant 0 : i32
      %dma_wait3A_53 = tpu.memref_slice %arg9[%mul3A_4, %dma_wait3A] : memref<10240x128xf32, #tpu.memory_space<vmem_shared>> -> memref<640x128xf32, #tpu.memory_space<vmem_shared>>
      %dma_wait3A_54 = arith.constant 0 : i32
      %dma_wait3A_55 = tpu.memref_slice %arg5[%mul3A_2, %dma_wait3A_54] : memref<10240x128xf32, #tpu.memory_space<hbm>> -> memref<640x128xf32, #tpu.memory_space<hbm>>
      tpu.wait_dma2 semaphore(%run_scoped3A : memref<!tpu.dma_semaphore, #tpu.memory_space<semaphore_mem>>) src(%dma_wait3A_55 : memref<640x128xf32, #tpu.memory_space<hbm>>) dst(%dma_wait3A_53 : memref<640x128xf32, #tpu.memory_space<vmem_shared>>)
      tpu.yield
    }) : () -> ()
    %eq3A = arith.constant 0 : i32
    %eq3A_5 = arith.cmpi eq, %arg1, %eq3A : i32
    %convert_element_type3A = arith.extui %eq3A_5 : i1 to i32
    %cond3A = arith.constant 0 : i32
    %cond3A_6 = arith.cmpi ne, %convert_element_type3A, %cond3A : i32
    scf.if %cond3A_6 {
      "tpu.region"() ({
        %run_scoped3A = tpu.sem_alloc : memref<!tpu.dma_semaphore, #tpu.memory_space<semaphore_mem>>
        tpu.enqueue_dma source(%arg6 : memref<10240xf32, #tpu.memory_space<hbm>>) target(%arg10 : memref<10240xf32, #tpu.memory_space<vmem_shared>>) target_semaphore(%run_scoped3A : memref<!tpu.dma_semaphore, #tpu.memory_space<semaphore_mem>>)
        tpu.wait_dma2 semaphore(%run_scoped3A : memref<!tpu.dma_semaphore, #tpu.memory_space<semaphore_mem>>) src(%arg6 : memref<10240xf32, #tpu.memory_space<hbm>>) dst(%arg10 : memref<10240xf32, #tpu.memory_space<vmem_shared>>)
        tpu.yield
      }) : () -> ()
    } else {
    }
    "tpu.region"() ({
      %run_scoped3A = tpu.sem_alloc : memref<!tpu.dma_semaphore, #tpu.memory_space<semaphore_mem>>
      %dma_start3A = arith.constant 0 : i32
      %dma_start3A_50 = arith.constant 0 : i32
      %dma_start3A_51 = tpu.memref_slice %arg3[%add3A, %dma_start3A, %dma_start3A_50] : memref<32x125x80xi32, #tpu.memory_space<hbm>> -> memref<1x125x80xi32, #tpu.memory_space<hbm>>
      %dma_start3A_52 = tpu.memref_squeeze %dma_start3A_51 : memref<1x125x80xi32, #tpu.memory_space<hbm>> -> memref<125x80xi32, #tpu.memory_space<hbm>>
      %dma_start3A_53 = arith.constant 0 : i32
      %dma_start3A_54 = arith.constant 0 : i32
      %dma_start3A_55 = tpu.memref_slice %arg3[%add3A, %dma_start3A_53, %dma_start3A_54] : memref<32x125x80xi32, #tpu.memory_space<hbm>> -> memref<1x125x80xi32, #tpu.memory_space<hbm>>
      %dma_start3A_56 = tpu.memref_squeeze %dma_start3A_55 : memref<1x125x80xi32, #tpu.memory_space<hbm>> -> memref<125x80xi32, #tpu.memory_space<hbm>>
      tpu.enqueue_dma source(%dma_start3A_56 : memref<125x80xi32, #tpu.memory_space<hbm>>) target(%arg11 : memref<125x80xi32, #tpu.memory_space<vmem>>) target_semaphore(%run_scoped3A : memref<!tpu.dma_semaphore, #tpu.memory_space<semaphore_mem>>)
      %dma_wait3A = arith.constant 0 : i32
      %dma_wait3A_57 = arith.constant 0 : i32
      %dma_wait3A_58 = tpu.memref_slice %arg3[%add3A, %dma_wait3A, %dma_wait3A_57] : memref<32x125x80xi32, #tpu.memory_space<hbm>> -> memref<1x125x80xi32, #tpu.memory_space<hbm>>
      %dma_wait3A_59 = tpu.memref_squeeze %dma_wait3A_58 : memref<1x125x80xi32, #tpu.memory_space<hbm>> -> memref<125x80xi32, #tpu.memory_space<hbm>>
      %dma_wait3A_60 = arith.constant 0 : i32
      %dma_wait3A_61 = arith.constant 0 : i32
      %dma_wait3A_62 = tpu.memref_slice %arg3[%add3A, %dma_wait3A_60, %dma_wait3A_61] : memref<32x125x80xi32, #tpu.memory_space<hbm>> -> memref<1x125x80xi32, #tpu.memory_space<hbm>>
      %dma_wait3A_63 = tpu.memref_squeeze %dma_wait3A_62 : memref<1x125x80xi32, #tpu.memory_space<hbm>> -> memref<125x80xi32, #tpu.memory_space<hbm>>
      tpu.wait_dma2 semaphore(%run_scoped3A : memref<!tpu.dma_semaphore, #tpu.memory_space<semaphore_mem>>) src(%dma_wait3A_63 : memref<125x80xi32, #tpu.memory_space<hbm>>) dst(%arg11 : memref<125x80xi32, #tpu.memory_space<vmem>>)
      tpu.yield
    }) : () -> ()
    "tpu.region"() ({
      %run_scoped3A = tpu.sem_alloc : memref<!tpu.dma_semaphore, #tpu.memory_space<semaphore_mem>>
      %dma_start3A = arith.constant 0 : i32
      %dma_start3A_50 = arith.constant 0 : i32
      %dma_start3A_51 = tpu.memref_slice %arg4[%add3A, %dma_start3A, %dma_start3A_50] : memref<32x125x80xi32, #tpu.memory_space<hbm>> -> memref<1x125x80xi32, #tpu.memory_space<hbm>>
      %dma_start3A_52 = tpu.memref_squeeze %dma_start3A_51 : memref<1x125x80xi32, #tpu.memory_space<hbm>> -> memref<125x80xi32, #tpu.memory_space<hbm>>
      %dma_start3A_53 = arith.constant 0 : i32
      %dma_start3A_54 = arith.constant 0 : i32
      %dma_start3A_55 = tpu.memref_slice %arg4[%add3A, %dma_start3A_53, %dma_start3A_54] : memref<32x125x80xi32, #tpu.memory_space<hbm>> -> memref<1x125x80xi32, #tpu.memory_space<hbm>>
      %dma_start3A_56 = tpu.memref_squeeze %dma_start3A_55 : memref<1x125x80xi32, #tpu.memory_space<hbm>> -> memref<125x80xi32, #tpu.memory_space<hbm>>
      tpu.enqueue_dma source(%dma_start3A_56 : memref<125x80xi32, #tpu.memory_space<hbm>>) target(%arg12 : memref<125x80xi32, #tpu.memory_space<vmem>>) target_semaphore(%run_scoped3A : memref<!tpu.dma_semaphore, #tpu.memory_space<semaphore_mem>>)
      %dma_wait3A = arith.constant 0 : i32
      %dma_wait3A_57 = arith.constant 0 : i32
      %dma_wait3A_58 = tpu.memref_slice %arg4[%add3A, %dma_wait3A, %dma_wait3A_57] : memref<32x125x80xi32, #tpu.memory_space<hbm>> -> memref<1x125x80xi32, #tpu.memory_space<hbm>>
      %dma_wait3A_59 = tpu.memref_squeeze %dma_wait3A_58 : memref<1x125x80xi32, #tpu.memory_space<hbm>> -> memref<125x80xi32, #tpu.memory_space<hbm>>
      %dma_wait3A_60 = arith.constant 0 : i32
      %dma_wait3A_61 = arith.constant 0 : i32
      %dma_wait3A_62 = tpu.memref_slice %arg4[%add3A, %dma_wait3A_60, %dma_wait3A_61] : memref<32x125x80xi32, #tpu.memory_space<hbm>> -> memref<1x125x80xi32, #tpu.memory_space<hbm>>
      %dma_wait3A_63 = tpu.memref_squeeze %dma_wait3A_62 : memref<1x125x80xi32, #tpu.memory_space<hbm>> -> memref<125x80xi32, #tpu.memory_space<hbm>>
      tpu.wait_dma2 semaphore(%run_scoped3A : memref<!tpu.dma_semaphore, #tpu.memory_space<semaphore_mem>>) src(%dma_wait3A_63 : memref<125x80xi32, #tpu.memory_space<hbm>>) dst(%arg12 : memref<125x80xi32, #tpu.memory_space<vmem>>)
      tpu.yield
    }) : () -> ()
    %broadcast_in_dim3A = arith.constant 1.000000e+00 : f32
    %broadcast_in_dim3A_7 = vector.broadcast %broadcast_in_dim3A : f32 to vector<16xf32>
    %swap3A = arith.constant 0 : index
    %swap3A_8 = tpu.vector_load %arg14[%swap3A] {strides = array<i32>} : memref<80xf32, #tpu.memory_space<vmem>>, vector<16xf32>,
    %swap3A_9 = vector.shape_cast %swap3A_8 : vector<16xf32> to vector<16xf32>
    %swap3A_10 = vector.shape_cast %broadcast_in_dim3A_7 : vector<16xf32> to vector<16xf32>
    tpu.vector_store %arg14[%swap3A], %swap3A_10 {strides = array<i32>} : memref<80xf32, #tpu.memory_space<vmem>>, vector<16xf32>,
    %broadcast_in_dim3A_11 = arith.constant 1.000000e+00 : f32
    %broadcast_in_dim3A_12 = vector.broadcast %broadcast_in_dim3A_11 : f32 to vector<16xf32>
    %swap3A_13 = arith.constant 16 : index
    %swap3A_14 = tpu.vector_load %arg14[%swap3A_13] {strides = array<i32>} : memref<80xf32, #tpu.memory_space<vmem>>, vector<16xf32>,
    %swap3A_15 = vector.shape_cast %swap3A_14 : vector<16xf32> to vector<16xf32>
    %swap3A_16 = vector.shape_cast %broadcast_in_dim3A_12 : vector<16xf32> to vector<16xf32>
    tpu.vector_store %arg14[%swap3A_13], %swap3A_16 {strides = array<i32>} : memref<80xf32, #tpu.memory_space<vmem>>, vector<16xf32>,
    %broadcast_in_dim3A_17 = arith.constant 1.000000e+00 : f32
    %broadcast_in_dim3A_18 = vector.broadcast %broadcast_in_dim3A_17 : f32 to vector<16xf32>
    %swap3A_19 = arith.constant 32 : index
    %swap3A_20 = tpu.vector_load %arg14[%swap3A_19] {strides = array<i32>} : memref<80xf32, #tpu.memory_space<vmem>>, vector<16xf32>,
    %swap3A_21 = vector.shape_cast %swap3A_20 : vector<16xf32> to vector<16xf32>
    %swap3A_22 = vector.shape_cast %broadcast_in_dim3A_18 : vector<16xf32> to vector<16xf32>
    tpu.vector_store %arg14[%swap3A_19], %swap3A_22 {strides = array<i32>} : memref<80xf32, #tpu.memory_space<vmem>>, vector<16xf32>,
    %broadcast_in_dim3A_23 = arith.constant 1.000000e+00 : f32
    %broadcast_in_dim3A_24 = vector.broadcast %broadcast_in_dim3A_23 : f32 to vector<16xf32>
    %swap3A_25 = arith.constant 48 : index
    %swap3A_26 = tpu.vector_load %arg14[%swap3A_25] {strides = array<i32>} : memref<80xf32, #tpu.memory_space<vmem>>, vector<16xf32>,
    %swap3A_27 = vector.shape_cast %swap3A_26 : vector<16xf32> to vector<16xf32>
    %swap3A_28 = vector.shape_cast %broadcast_in_dim3A_24 : vector<16xf32> to vector<16xf32>
    tpu.vector_store %arg14[%swap3A_25], %swap3A_28 {strides = array<i32>} : memref<80xf32, #tpu.memory_space<vmem>>, vector<16xf32>,
    %broadcast_in_dim3A_29 = arith.constant 1.000000e+00 : f32
    %broadcast_in_dim3A_30 = vector.broadcast %broadcast_in_dim3A_29 : f32 to vector<16xf32>
    %swap3A_31 = arith.constant 64 : index
    %swap3A_32 = tpu.vector_load %arg14[%swap3A_31] {strides = array<i32>} : memref<80xf32, #tpu.memory_space<vmem>>, vector<16xf32>,
    %swap3A_33 = vector.shape_cast %swap3A_32 : vector<16xf32> to vector<16xf32>
    %swap3A_34 = vector.shape_cast %broadcast_in_dim3A_30 : vector<16xf32> to vector<16xf32>
    tpu.vector_store %arg14[%swap3A_31], %swap3A_34 {strides = array<i32>} : memref<80xf32, #tpu.memory_space<vmem>>, vector<16xf32>,
    %barrier3A = arith.constant 0 : index
    tpu.barrier barrier_id(%barrier3A)
    %scan3A = arith.constant 0 : i32
    %scan3A_35 = arith.constant 0 : i32
    %scan3A_36 = arith.constant 125 : i32
    %scan3A_37 = arith.addi %scan3A_35, %scan3A_36 : i32
    %scan3A_38 = arith.constant 1 : i32
    scf.for %scan3A_50 = %scan3A_35 to %scan3A_37 step %scan3A_38  : i32 {
      %dma_start3A = arith.constant 0 : i32
      %dma_start3A_51 = tpu.memref_slice %arg11[%scan3A_50, %dma_start3A] : memref<125x80xi32, #tpu.memory_space<vmem>> -> memref<1x80xi32, #tpu.memory_space<vmem>>
      %dma_start3A_52 = tpu.memref_squeeze %dma_start3A_51 : memref<1x80xi32, #tpu.memory_space<vmem>> -> memref<80xi32, #tpu.memory_space<vmem>>
      %dma_start3A_53 = arith.constant 0 : i32
      %dma_start3A_54 = arith.constant 0 : i32
      %dma_start3A_55 = tpu.memref_slice %arg2[%dma_start3A_53, %dma_start3A_54] : memref<10000x128xf32, #tpu.memory_space<hbm>> -> memref<10000x128xf32, #tpu.memory_space<hbm>>
      tpu.enqueue_indirect_dma source(%dma_start3A_55 : memref<10000x128xf32, #tpu.memory_space<hbm>>) target(%arg13 : memref<80x128xf32, #tpu.memory_space<vmem>>) offsets(%dma_start3A_52 : memref<80xi32, #tpu.memory_space<vmem>>) semaphore(%arg15 : memref<!tpu.dma_semaphore, #tpu.memory_space<semaphore_mem>>)
      "tpu.region"() ({
        %run_scoped3A = tpu.sem_alloc : memref<!tpu.dma_semaphore, #tpu.memory_space<semaphore_mem>>
        %dma_start3A_61 = arith.constant 0 : i32
        %dma_start3A_62 = tpu.memref_slice %arg12[%scan3A_50, %dma_start3A_61] : memref<125x80xi32, #tpu.memory_space<vmem>> -> memref<1x80xi32, #tpu.memory_space<vmem>>
        %dma_start3A_63 = tpu.memref_squeeze %dma_start3A_62 : memref<1x80xi32, #tpu.memory_space<vmem>> -> memref<80xi32, #tpu.memory_space<vmem>>
        %dma_start3A_64 = arith.constant 0 : i32
        %dma_start3A_65 = tpu.memref_slice %arg10[%dma_start3A_64] : memref<10240xf32, #tpu.memory_space<vmem_shared>> -> memref<10240xf32, #tpu.memory_space<vmem_shared>>
        tpu.enqueue_indirect_dma source(%arg14 : memref<80xf32, #tpu.memory_space<vmem>>) target(%dma_start3A_65 : memref<10240xf32, #tpu.memory_space<vmem_shared>>) offsets(%dma_start3A_63 : memref<80xi32, #tpu.memory_space<vmem>>) semaphore(%run_scoped3A : memref<!tpu.dma_semaphore, #tpu.memory_space<semaphore_mem>>) {add = true}
        %dma_wait3A_66 = arith.constant 0 : i32
        %dma_wait3A_67 = tpu.memref_slice %arg12[%scan3A_50, %dma_wait3A_66] : memref<125x80xi32, #tpu.memory_space<vmem>> -> memref<1x80xi32, #tpu.memory_space<vmem>>
        %dma_wait3A_68 = tpu.memref_squeeze %dma_wait3A_67 : memref<1x80xi32, #tpu.memory_space<vmem>> -> memref<80xi32, #tpu.memory_space<vmem>>
        %dma_wait3A_69 = arith.constant 0 : i32
        %dma_wait3A_70 = tpu.memref_slice %arg10[%dma_wait3A_69] : memref<10240xf32, #tpu.memory_space<vmem_shared>> -> memref<10240xf32, #tpu.memory_space<vmem_shared>>
        tpu.wait_indirect_dma semaphore(%run_scoped3A : memref<!tpu.dma_semaphore, #tpu.memory_space<semaphore_mem>>) src(%arg14 : memref<80xf32, #tpu.memory_space<vmem>>) dst(%dma_wait3A_70 : memref<10240xf32, #tpu.memory_space<vmem_shared>>)
        tpu.yield
      }) : () -> ()
      %dma_wait3A = arith.constant 0 : i32
      %dma_wait3A_56 = tpu.memref_slice %arg11[%scan3A_50, %dma_wait3A] : memref<125x80xi32, #tpu.memory_space<vmem>> -> memref<1x80xi32, #tpu.memory_space<vmem>>
      %dma_wait3A_57 = tpu.memref_squeeze %dma_wait3A_56 : memref<1x80xi32, #tpu.memory_space<vmem>> -> memref<80xi32, #tpu.memory_space<vmem>>
      %dma_wait3A_58 = arith.constant 0 : i32
      %dma_wait3A_59 = arith.constant 0 : i32
      %dma_wait3A_60 = tpu.memref_slice %arg2[%dma_wait3A_58, %dma_wait3A_59] : memref<10000x128xf32, #tpu.memory_space<hbm>> -> memref<10000x128xf32, #tpu.memory_space<hbm>>
      tpu.wait_indirect_dma semaphore(%arg15 : memref<!tpu.dma_semaphore, #tpu.memory_space<semaphore_mem>>) src(%dma_wait3A_60 : memref<10000x128xf32, #tpu.memory_space<hbm>>) dst(%arg13 : memref<80x128xf32, #tpu.memory_space<vmem>>)
      "tpu.region"() ({
        %run_scoped3A = tpu.sem_alloc : memref<!tpu.dma_semaphore, #tpu.memory_space<semaphore_mem>>
        %dma_start3A_61 = arith.constant 0 : i32
        %dma_start3A_62 = tpu.memref_slice %arg12[%scan3A_50, %dma_start3A_61] : memref<125x80xi32, #tpu.memory_space<vmem>> -> memref<1x80xi32, #tpu.memory_space<vmem>>
        %dma_start3A_63 = tpu.memref_squeeze %dma_start3A_62 : memref<1x80xi32, #tpu.memory_space<vmem>> -> memref<80xi32, #tpu.memory_space<vmem>>
        %dma_start3A_64 = arith.constant 0 : i32
        %dma_start3A_65 = arith.constant 0 : i32
        %dma_start3A_66 = tpu.memref_slice %arg9[%dma_start3A_64, %dma_start3A_65] : memref<10240x128xf32, #tpu.memory_space<vmem_shared>> -> memref<10240x128xf32, #tpu.memory_space<vmem_shared>>
        tpu.enqueue_indirect_dma source(%arg13 : memref<80x128xf32, #tpu.memory_space<vmem>>) target(%dma_start3A_66 : memref<10240x128xf32, #tpu.memory_space<vmem_shared>>) offsets(%dma_start3A_63 : memref<80xi32, #tpu.memory_space<vmem>>) semaphore(%run_scoped3A : memref<!tpu.dma_semaphore, #tpu.memory_space<semaphore_mem>>) {add = true}
        %dma_wait3A_67 = arith.constant 0 : i32
        %dma_wait3A_68 = tpu.memref_slice %arg12[%scan3A_50, %dma_wait3A_67] : memref<125x80xi32, #tpu.memory_space<vmem>> -> memref<1x80xi32, #tpu.memory_space<vmem>>
        %dma_wait3A_69 = tpu.memref_squeeze %dma_wait3A_68 : memref<1x80xi32, #tpu.memory_space<vmem>> -> memref<80xi32, #tpu.memory_space<vmem>>
        %dma_wait3A_70 = arith.constant 0 : i32
        %dma_wait3A_71 = arith.constant 0 : i32
        %dma_wait3A_72 = tpu.memref_slice %arg9[%dma_wait3A_70, %dma_wait3A_71] : memref<10240x128xf32, #tpu.memory_space<vmem_shared>> -> memref<10240x128xf32, #tpu.memory_space<vmem_shared>>
        tpu.wait_indirect_dma semaphore(%run_scoped3A : memref<!tpu.dma_semaphore, #tpu.memory_space<semaphore_mem>>) src(%arg13 : memref<80x128xf32, #tpu.memory_space<vmem>>) dst(%dma_wait3A_72 : memref<10240x128xf32, #tpu.memory_space<vmem_shared>>)
        tpu.yield
      }) : () -> ()
    }
    %scan3A_39 = arith.constant 125 : i32
    %barrier3A_40 = arith.constant 0 : index
    tpu.barrier barrier_id(%barrier3A_40)
    %mul3A_41 = arith.constant 640 : i32
    %mul3A_42 = arith.muli %arg1, %mul3A_41 : i32
    %mul3A_43 = arith.constant 640 : i32
    %mul3A_44 = arith.muli %arg1, %mul3A_43 : i32
    "tpu.region"() ({
      %run_scoped3A = tpu.sem_alloc : memref<!tpu.dma_semaphore, #tpu.memory_space<semaphore_mem>>
      %dma_start3A = arith.constant 0 : i32
      %dma_start3A_50 = tpu.memref_slice %arg7[%arg0, %mul3A_44, %dma_start3A] : memref<2x10240x128xf32, #tpu.memory_space<hbm>> -> memref<1x640x128xf32, #tpu.memory_space<hbm>>
      %dma_start3A_51 = tpu.memref_squeeze %dma_start3A_50 : memref<1x640x128xf32, #tpu.memory_space<hbm>> -> memref<640x128xf32, #tpu.memory_space<hbm>>
      %dma_start3A_52 = arith.constant 0 : i32
      %dma_start3A_53 = tpu.memref_slice %arg9[%mul3A_42, %dma_start3A_52] : memref<10240x128xf32, #tpu.memory_space<vmem_shared>> -> memref<640x128xf32, #tpu.memory_space<vmem_shared>>
      tpu.enqueue_dma source(%dma_start3A_53 : memref<640x128xf32, #tpu.memory_space<vmem_shared>>) target(%dma_start3A_51 : memref<640x128xf32, #tpu.memory_space<hbm>>) target_semaphore(%run_scoped3A : memref<!tpu.dma_semaphore, #tpu.memory_space<semaphore_mem>>)
      %dma_wait3A = arith.constant 0 : i32
      %dma_wait3A_54 = tpu.memref_slice %arg7[%arg0, %mul3A_44, %dma_wait3A] : memref<2x10240x128xf32, #tpu.memory_space<hbm>> -> memref<1x640x128xf32, #tpu.memory_space<hbm>>
      %dma_wait3A_55 = tpu.memref_squeeze %dma_wait3A_54 : memref<1x640x128xf32, #tpu.memory_space<hbm>> -> memref<640x128xf32, #tpu.memory_space<hbm>>
      %dma_wait3A_56 = arith.constant 0 : i32
      %dma_wait3A_57 = tpu.memref_slice %arg9[%mul3A_42, %dma_wait3A_56] : memref<10240x128xf32, #tpu.memory_space<vmem_shared>> -> memref<640x128xf32, #tpu.memory_space<vmem_shared>>
      tpu.wait_dma2 semaphore(%run_scoped3A : memref<!tpu.dma_semaphore, #tpu.memory_space<semaphore_mem>>) src(%dma_wait3A_57 : memref<640x128xf32, #tpu.memory_space<vmem_shared>>) dst(%dma_wait3A_55 : memref<640x128xf32, #tpu.memory_space<hbm>>)
      tpu.yield
    }) : () -> ()
    %eq3A_45 = arith.constant 0 : i32
    %eq3A_46 = arith.cmpi eq, %arg1, %eq3A_45 : i32
    %convert_element_type3A_47 = arith.extui %eq3A_46 : i1 to i32
    %cond3A_48 = arith.constant 0 : i32
    %cond3A_49 = arith.cmpi ne, %convert_element_type3A_47, %cond3A_48 : i32
    scf.if %cond3A_49 {
      "tpu.region"() ({
        %run_scoped3A = tpu.sem_alloc : memref<!tpu.dma_semaphore, #tpu.memory_space<semaphore_mem>>
        %dma_start3A = arith.constant 0 : i32
        %dma_start3A_50 = tpu.memref_slice %arg8[%arg0, %dma_start3A] : memref<2x10240xf32, #tpu.memory_space<hbm>> -> memref<1x10240xf32, #tpu.memory_space<hbm>>
        %dma_start3A_51 = tpu.memref_squeeze %dma_start3A_50 : memref<1x10240xf32, #tpu.memory_space<hbm>> -> memref<10240xf32, #tpu.memory_space<hbm>>
        tpu.enqueue_dma source(%arg10 : memref<10240xf32, #tpu.memory_space<vmem_shared>>) target(%dma_start3A_51 : memref<10240xf32, #tpu.memory_space<hbm>>) target_semaphore(%run_scoped3A : memref<!tpu.dma_semaphore, #tpu.memory_space<semaphore_mem>>)
        %dma_wait3A = arith.constant 0 : i32
        %dma_wait3A_52 = tpu.memref_slice %arg8[%arg0, %dma_wait3A] : memref<2x10240xf32, #tpu.memory_space<hbm>> -> memref<1x10240xf32, #tpu.memory_space<hbm>>
        %dma_wait3A_53 = tpu.memref_squeeze %dma_wait3A_52 : memref<1x10240xf32, #tpu.memory_space<hbm>> -> memref<10240xf32, #tpu.memory_space<hbm>>
        tpu.wait_dma2 semaphore(%run_scoped3A : memref<!tpu.dma_semaphore, #tpu.memory_space<semaphore_mem>>) src(%arg10 : memref<10240xf32, #tpu.memory_space<vmem_shared>>) dst(%dma_wait3A_53 : memref<10240xf32, #tpu.memory_space<hbm>>)
        tpu.yield
      }) : () -> ()
    } else {
    }
    return
  }
}

</mosaic_0001>

<sc_bundles>
// kernel: _sc_segment_sum.3.cloned.1.call-start
scs
__scs_entry_jumppad:
0x0: {  	(pc) =	sbr.rel $0x88, $3  }
0x1: {  	(tag) =	ssettag $0x0;
	lr =	simm.s32 $0x1  }
0x2: {  	[smem:$0x3F9E] =	sst lr;
	_ =	strace $0xD0000000  }
0x3: {  	_ = 	snop  }
0x4: {  	_ = 	snop  }
0x5: {  	_ = 	snop  }
0x6: {  	_ = 	snop  }
0x7: {  	_ = 	snop  }
__scs_overlays_trampoline_lowered:
0x8: {  	[smem:$0x3FAD] =	sst s0  }
0x9: {  	[smem:$0x3FAE] =	sst s1  }
0xa: {  	[smem:$0x3FAF] =	sst s2  }
0xb: {  	[smem:$0x3FB0] =	sst s3  }
0xc: {  	[smem:$0x3FB1] =	sst s4  }
0xd: {  	[smem:$0x3FB2] =	sst s5  }
0xe: {  	[smem:$0x3FB3] =	sst s6  }
0xf: {  	[smem:$0x3FB4] =	sst s7  }
0x10: {  	[smem:$0x3FB5] =	sst s8  }
0x11: {  	[smem:$0x3FB6] =	sst s9;
	s0 =	simm.s32 @!p0 $0x0  }
0x12: {  	s1 =	sld [smem:$0x3F9C];
	s0 =	simm.s32 @p0 $0x1  }
0x13: {  	[smem:$0x3FB7] =	sst s0;
	s0 =	simm.s32 @!p1 $0x0  }
0x14: {  	s2 =	sld [smem:$0x3F9B];
	s0 =	simm.s32 @p1 $0x1  }
0x15: {  	[smem:$0x3FB8] =	sst s0;
	s0 =	simm.s32 @!p2 $0x0  }
0x16: {  	s3 =	sld [smem:$0x3FDB];
	s0 =	simm.s32 @p2 $0x1  }
0x17: {  	s4 =	simm.s32 $0x1BF5;
	[smem:$0x3FBA] =	sst s0  }
0x18: {  	s0 =	sld [smem:$0x3F9D];
	_ =	swait.ge [sflag:s4], $0x0  }
0x19: {  	s7 =	sld [smem:$0x3F9E]  }
0x1a: {  	s8 =	sadd.s32 $0xFFFFE003, lr  }
0x1b: {  	s9 =	sadd.s32 $0xFFFFFEF7, lr;
	s5 =	simm.s32 $0xFFFFFFFF;
	p2 =	slt.u32 s8, $0xFFFFF086  }
0x1c: {  	p1 =	slt.u32 s9, $0xF7A;
	s5 =	simm.s32 @!p2 $0x0  }
0x1d: {  	s5 =	simm.s32 @p1 $0x1;
	p0 =	seq.s32 s7, s2  }
0x1e: {  	s7 =	smul.u32 @!p0 $0xF7A, s2;
	p2 =	seq.s32 @!p0 s5, $0x0  }
0x1f: {  	s9 =	smul.u32 $0xF7A, s1;
	s8 =	simm.s32 @!p0 $0x1BF5;
	p2 =	por !p2, p0  }
0x20: {  	[sflag:s8] =	ssyncset.s32 @!p0 $0xFFFFF086;
	s6 =	sadd.s32 @!p0 s3, s7;
	s7 =	simm.s32 @!p0 $0x108  }
0x21: {  	s3 =	sadd.s32 s3, s9;
	s6 =	sadd.s32 @!p0 $0x88, s6;
	s7 =	simm.s32 @p2 $0x1082  }
0x22: {  	[simem:s7], [sflag:s8] =	dma.local @!p0 [hbm:s6], $0xF7A  }
0x23: {  	s9 =	sor.u32 $0xD0000000, s2;
	s6 =	simm.s32 $0x108;
	_ =	swait.ge @!p0 [sflag:s8], $0x0  }
0x24: {  	s3 =	sadd.s32 $0x88, s3;
	s6 =	simm.s32 @!p1 $0x1082;
	[sflag:s4] =	ssyncset.s32 $0xFFFFF086  }
0x25: {  	[simem:s6], [sflag:s4] =	dma.local [hbm:s3], $0xF7A  }
0x26: {  	[smem:$0x3F9E] =	sst s1;
	(tag) =	ssettag s2;
	_ =	strace s9  }
0x27: {  	s1 =	sld [smem:$0x3FAE]  }
0x28: {  	s2 =	sld [smem:$0x3FAF]  }
0x29: {  	s4 =	sld [smem:$0x3FB1]  }
0x2a: {  	p0 =	seq.s32 s5, $0x0;
	s5 =	sld [smem:$0x3FB2]  }
0x2b: {  	s6 =	sld [smem:$0x3FB3]  }
0x2c: {  	s7 =	sld [smem:$0x3FB4]  }
0x2d: {  	s3 =	simm.s32 $0x108;
	s8 =	sld [smem:$0x3FB5]  }
0x2e: {  	s3 =	simm.s32 @!p0 $0x1082;
	s9 =	sld [smem:$0x3FB6]  }
0x2f: {  	lr =	sadd.s32 s0, s3;
	s0 =	sld [smem:$0x3FAD]  }
0x30: {  	s3 =	sld [smem:$0x3FB0]  }
0x31: {  	[smem:$0x3FB9] =	sst s10  }
0x32: {  	s10 =	sld [smem:$0x3FB7];
	_ =	sdelay $0x3  }
0x33: {  	p0 =	seq.s32 s10, $0x1;
	s10 =	sld [smem:$0x3FB9];
	_ =	sdelay $0x3  }
0x34: {  	[smem:$0x3FB9] =	sst s10  }
0x35: {  	s10 =	sld [smem:$0x3FB8];
	_ =	sdelay $0x3  }
0x36: {  	p1 =	seq.s32 s10, $0x1;
	s10 =	sld [smem:$0x3FB9];
	_ =	sdelay $0x3  }
0x37: {  	[smem:$0x3FB9] =	sst s10  }
0x38: {  	s10 =	sld [smem:$0x3FBA]  }
0x39: {  	_ = 	snop;
	(pc) =	sbr.ind lr, $3  }
0x3a: {  	_ = 	snop  }
0x3b: {  	_ = 	snop  }
0x3c: {  	p2 =	seq.s32 s10, $0x1;
	s10 =	sld [smem:$0x3FB9]  }
0x3d: {  	_ =	shalt  }
0x3e: {  	_ =	shalt  }
0x3f: {  	_ =	shalt  }
0x40: {  	_ =	shalt  }
0x41: {  	_ =	shalt  }
0x42: {  	_ =	shalt  }
0x43: {  	_ =	shalt  }
0x44: {  	_ =	shalt  }
0x45: {  	_ =	shalt  }
0x46: {  	_ =	shalt  }
0x47: {  	_ =	shalt  }
0x48: {  	_ =	shalt  }
0x49: {  	_ =	shalt  }
0x4a: {  	_ =	shalt  }
0x4b: {  	_ =	shalt  }
0x4c: {  	_ =	shalt  }
0x4d: {  	_ =	shalt  }
0x4e: {  	_ =	shalt  }
0x4f: {  	_ =	shalt  }
0x50: {  	_ =	shalt  }
0x51: {  	_ =	shalt  }
0x52: {  	_ =	shalt  }
0x53: {  	_ =	shalt  }
0x54: {  	_ =	shalt  }
0x55: {  	_ =	shalt  }
0x56: {  	_ =	shalt  }
0x57: {  	_ =	shalt  }
0x58: {  	_ =	shalt  }
0x59: {  	_ =	shalt  }
0x5a: {  	_ =	shalt  }
0x5b: {  	_ =	shalt  }
0x5c: {  	_ =	shalt  }
0x5d: {  	_ =	shalt  }
0x5e: {  	_ =	shalt  }
0x5f: {  	_ =	shalt  }
0x60: {  	_ =	shalt  }
0x61: {  	_ =	shalt  }
0x62: {  	_ =	shalt  }
0x63: {  	_ =	shalt  }
0x64: {  	_ =	shalt  }
0x65: {  	_ =	shalt  }
0x66: {  	_ =	shalt  }
0x67: {  	_ =	shalt  }
0x68: {  	_ =	shalt  }
0x69: {  	_ =	shalt  }
0x6a: {  	_ =	shalt  }
0x6b: {  	_ =	shalt  }
0x6c: {  	_ =	shalt  }
0x6d: {  	_ =	shalt  }
0x6e: {  	_ =	shalt  }
0x6f: {  	_ =	shalt  }
0x70: {  	_ =	shalt  }
0x71: {  	_ =	shalt  }
0x72: {  	_ =	shalt  }
0x73: {  	_ =	shalt  }
0x74: {  	_ =	shalt  }
0x75: {  	_ =	shalt  }
0x76: {  	_ =	shalt  }
0x77: {  	_ =	shalt  }
0x78: {  	_ =	shalt  }
0x79: {  	_ =	shalt  }
0x7a: {  	_ =	shalt  }
0x7b: {  	_ =	shalt  }
0x7c: {  	_ =	shalt  }
0x7d: {  	_ =	shalt  }
0x7e: {  	_ =	shalt  }
0x7f: {  	_ =	shalt  }
0x80: {  	_ =	shalt  }
0x81: {  	_ =	shalt  }
0x82: {  	_ =	shalt  }
0x83: {  	_ =	shalt  }
0x84: {  	_ =	shalt  }
0x85: {  	_ =	shalt  }
0x86: {  	_ =	shalt  }
0x87: {  	_ =	shalt  }
.Lfunc_end0:
.L_simem_size_0:
called_computation_lowered:
.L_overlay_start_0:
0x88: {  	s2 =	sld [smem:$0x3FD9]  }
0x89: {  	s3 =	sld [smem:$0x3FFE];
	_ =	sdelay $0x1  }
0x8a: {  	s1 =	srdreg.scid  }
0x8b: {  	s0 =	sand.u32 $0x1, s1  }
0x8c: {  	s14 =	sshll.u32 s0, $0xA;
	s2 =	sadd.s32 s3, s2  }
0x8d: {  	s2 =	sadd.s32 s2, s14  }
0x8e: {  	[smem:$0x3FC5] =	sst s2  }
0x8f: {  	_ = 	snop  }
0x90: {  	s2 =	sld [smem:$0x3FD0];
	_ =	sdelay $0x2  }
0x91: {  	s4 =	simm.s32 $0xA;
	s5 =	simm.s32 $0x10;
	s15 =	sld [smem:$0x3FC9]  }
0x92: {  	[smem:s5], [sflag:s4] =	dma.local [hbm:s2], $0x1  }
0x93: {  	_ =	swait.eq [sflag:s4], $0x1  }
0x94: {  	[sflag:s4] =	ssyncset.done $0x0  }
0x95: {  	s16 =	sld [smem:$0x10];
	[sflag:s4] =	ssyncadd.s32 $0xFFFFFFFF  }
0x96: {  	s17 =	sld [smem:$0x11];
	(tm) =	ssettm $0x1  }
0x97: {  	s18 =	sld [smem:$0x3FFB];
	_ =	sdelay $0x3  }
0x98: {  	_ =	strace s18  }
0x99: {  	s5 =	sld [smem:$0x3FFC];
	_ =	sdelay $0x3  }
0x9a: {  	_ =	strace s5  }
0x9b: {  	s5 =	sld [smem:$0x3FFD];
	_ =	sdelay $0x3  }
0x9c: {  	_ =	strace s5  }
0x9d: {  	_ =	strace $0x8FFFFFFF  }
0x9e: {  	s19 =	sld [smem:$0x3FDB];
	_ =	sdelay $0x1  }
0x9f: {  	s6 =	simm.s32 $_scs_section_size  }
0xa0: {  	s7 =	simm.s32 $_size__tile_overlayer_lowered;
	s8 =	simm.s32 $_tile_overlayer_lowered  }
0xa1: {  	s22 =	simm.s32 $0x1BFF;
	s21 =	sshll.u32 s8, $0x1;
	s5 =	sadd.s32 s6, s19  }
0xa2: {  	s9 =	simm.s32 $0x0;
	s20 =	sshll.u32 s7, $0x1;
	s7 =	sadd.s32 s21, s5  }
0xa3: {  	[timem:s9], [sflag:s22] =	dma.local [hbm:s7], s20  }
0xa4: {  	_ =	swait.ge [sflag:s22], s20  }
0xa5: {  	s6 =	ssub.s32 $0x0, s20;
	[sflag:s22] =	ssyncset.done $0x0  }
0xa6: {  	[sflag:s22] =	ssyncadd.s32 s6;
	_ =	sdelay $0x1  }
0xa7: {  	s23 =	simm.s32 $0x1B8B  }
0xa8: {  	_ =	swait.ge [sflag:s23], $0x1  }
0xa9: {  	[sflag:s23] =	ssyncset.done $0x0  }
0xaa: {  	s25 =	simm.s32 $0x1B8E;
	s24 =	sld [smem:$0x3FFE];
	[sflag:s23] =	ssyncadd.s32 $0xFFFFFFFF  }
0xab: {  	s26 =	simm.s32 $execute0_lowered;
	[smem:$0x3FD2] =	sst s25  }
0xac: {  	s7 =	sshll.u32 s26, $0x1;
	_ =	strace $0x80000046;
	[dreg:$0x1] =	wrdreg $0xFFFFFFFF  }
0xad: {  	s28 =	simm.s32 $_size_execute0_lowered;
	s5 =	sadd.s32 s5, s7;
	[dreg:$0x0] =	wrdreg $0x0  }
0xae: {  	s7 =	sshll.u32 s28, $0x1;
	[dreg:$0x2] =	wrdreg s5  }
0xaf: {  	[dreg:$0x3] =	wrdreg s7  }
0xb0: {  	[dreg:$0x4] =	wrdreg $0xC0  }
0xb1: {  	_ =	task [dreg:s9], $0x5FFFF  }
0xb2: {  	[dreg:$0x1] =	wrdreg $0xFFFFFFFF  }
0xb3: {  	[dreg:$0x0] =	wrdreg $0x60  }
0xb4: {  	[dreg:$0x2] =	wrdreg s15  }
0xb5: {  	[dreg:$0x3] =	wrdreg s24  }
0xb6: {  	[dreg:$0x4] =	wrdreg s16  }
0xb7: {  	[dreg:$0x5] =	wrdreg s17  }
0xb8: {  	[dreg:$0x6] =	wrdreg $0x0  }
0xb9: {  	[dreg:$0x7] =	wrdreg $0x140000  }
0xba: {  	[dreg:$0x8] =	wrdreg $0x9  }
0xbb: {  	_ =	task.clear_ibuf [dreg:s9], $0x9FFFF;
	_ =	strace $0x90000046  }
0xbc: {  	s29 =	simm.s32 $0x9;
	_ =	strace $0x80000048  }
0xbd: {  	_ =	swait.ge [sflag:s29], $0x1  }
0xbe: {  	[sflag:s29] =	ssyncadd.s32 $0xFFFFFFFF  }
0xbf: {  	_ =	strace $0x90000048  }
0xc0: {  	_ =	sfence  }
0xc1: {  	s30 =	sld [smem:$0x0];
	_ =	sdelay $0x2  }
0xc2: {  	s31 =	sshll.u32 s1, $0xD;
	s1 =	sshrl.u32 s1, $0x2  }
0xc3: {  	s3 =	sand.u32 $0x4000, s31;
	s1 =	sadd.s32 s1, s30  }
0xc4: {  	s0 =	sor.u32 s3, s0;
	s1 =	sshll.u32 s1, $0x11  }
0xc5: {  	s0 =	sor.u32 s1, s0  }
0xc6: {  	s0 =	sadd.s32 $0x8F2B, s0  }
0xc7: {  	[sflag:s0] =	ssyncadd.remote.s32 $0x1  }
0xc8: {  	_ =	sfence.sel $0xFFFF  }
0xc9: {  	[dreg:$0x0] =	wrdreg $0xFFFFFFFF;
	(pc) =	sbr.abs _section_cstart, $3  }
0xca: {  	[dreg:$0x1] =	wrdreg $0xFFFFFFFF  }
0xcb: {  	_ =	task.clear_ibuf [dreg:s9], $0x2FFFF;
	_ =	strace $0x9FFFFFFF  }
0xcc: {  	(tm) =	ssettm $0x7FFFFFFF  }
0xcd: {  	_ =	shalt  }
tec
execute0_lowered:
.L_overlay_start_1:
0x0: {  	(tag) =	ssettag $0x1  }
0x1: {  	s0 =	rddreg [dreg:$0x0]  }
0x2: {  	s5 =	rddreg [dreg:$0x1]  }
0x3: {  	s10 =	rddreg [dreg:$0x2]  }
0x4: {  	s11 =	rddreg [dreg:$0x3]  }
0x5: {  	s2 =	rddreg [dreg:$0x4]  }
0x6: {  	s3 =	rddreg [dreg:$0x5]  }
0x7: {  	s1 =	rddreg [dreg:$0x6];
	s4 =	simm.s32 $0x0  }
0x8: {  	s6 =	srdreg.scid;
	s13 =	stileid.u32;
	s18 =	simm.s32 $0x50  }
0x9: {  	s19 =	simm.s32 $0x1C280;
	s20 =	simm.s32 $0x1EA80;
	s21 =	simm.s32 $0x1  }
0xa: {  	s22 =	simm.s32 $0x0;
	[smem:$0x7FF] =	sst s4;
	s8 =	smul.u32 $0x14000, s13  }
0xb: {  	s9 =	sand.u32 $0x1, s6;
	s7 =	sshll.u32 s13, $0xB;
	s29 =	smul.u32 $0x50000, s13  }
0xc: {  	s31 =	sshll.u32 s13, $0x6;
	p0 =	sne.s32 s13, $0x0;
	s6 =	sshll.u32 s9, $0xF  }
0xd: {  	_ =	strace $0x80000047;
	s14 =	ssub.s32 $0x2, s9;
	s16 =	smul.u32 $0x140000, s9  }
0xe: {  	s17 =	sshll.u32 s9, $0x4;
	s6 =	sor.u32 s7, s6;
	s28 =	sshrl.u32 s8, $0x3  }
0xf: {  	s15 =	sshrl.u32 s14, $0x1;
	s7 =	sshrl.u32 s29, $0x2;
	s11 =	sadd.s32 s11, s17  }
0x10: {  	s17 =	simm.s32 $0x18280;
	s12 =	sadd.s32 s6, s5;
	s6 =	sadd.s32 s28, s5  }
0x11: {  	s5 =	sadd.s32 $0x20800, s5;
	s14 =	ssub.s32 s14, s15;
	s30 =	sadd.s32 s7, s2  }
0x12: {  	s7 =	sor.u32 $0x1C02, s31;
	s16 =	sadd.s32 s8, s16;
	s15 =	sshrl.u32 @!p0 s3, $0x3  }
0x13: {  	s6 =	sadd.s32 $0x20E00, s6;
	s8 =	sadd.s32 $0x800, s12;
	s16 =	sshrl.u32 s16, $0x3  }
0x14: {  	s9 =	sadd.s32 $0x10800, s12;
	s12 =	smax.u32 s14, $0x1;
	s13 =	sshrl.u32 s30, $0x3  }
0x15: {  	v0 =	vimm.f32 $1.000000000e+00;
	s14 =	simm.s32 $0x2;
	s10 =	sadd.s32 s10, s16;
	s16 =	simm.s32 $0x14280  }
.LBB2_1:
0x16: {  	[spmem:s13], [sflag:s7] =	dma.local [hbm:s6], $0x2800  }
0x17: {  	_ =	swait.ge [sflag:s14], $0x2800  }
0x18: {  	[sflag:s14] =	ssyncset.done $0x0  }
0x19: {  	s23 =	simm.s32 @!p0 $0x2;
	[sflag:s14] =	ssyncadd.s32 $0xFFFFD800  }
0x1a: {  	[spmem:s15], [sflag:s7] =	dma.local @!p0 [hbm:s5], $0x500  }
0x1b: {  	_ =	swait.ge @!p0 [sflag:s23], $0x500  }
0x1c: {  	[sflag:s23] =	ssyncset.done @!p0 $0x0  }
0x1d: {  	[sflag:s23] =	ssyncadd.s32 @!p0 $0xFFFFFB00  }
0x1e: {  	[tilespmem:s16], [sflag:$0x2] =	stream.linear.gather [hbm4b:s8+s4], $0x3E80, $0x38;
	[tilespmem:$0x1EB00] =	vst v63  }
0x1f: {  	_ =	swait.ge [sflag:s14], $0x3E80  }
0x20: {  	[sflag:s14] =	ssyncset.done $0x0  }
0x21: {  	[sflag:s14] =	ssyncadd.s32 $0xFFFFC180  }
0x22: {  	[tilespmem:s17], [sflag:$0x2] =	stream.linear.gather [hbm4b:s9+s4], $0x3E80, $0x38;
	[tilespmem:$0x1EB00] =	vst v63  }
0x23: {  	_ =	swait.ge [sflag:s14], $0x3E80  }
0x24: {  	[sflag:s14] =	ssyncset.done $0x0  }
0x25: {  	[sflag:s14] =	ssyncadd.s32 $0xFFFFC180  }
0x26: {  	[tilespmem:$0x1EA80] =	vst v0  }
0x27: {  	[tilespmem:$0x1EA90] =	vst v0  }
0x28: {  	[tilespmem:$0x1EAA0] =	vst v0  }
0x29: {  	[tilespmem:$0x1EAB0] =	vst v0  }
0x2a: {  	[tilespmem:$0x1EAC0] =	vst v0  }
0x2b: {  	s30 =	simm.s32 $0x14280;
	[bflag:$0x0] =	sbarrier.arrive $0xFFFF  }
0x2c: {  	[tilespmem:s19], [sflag:$0x1] =	stream.indirect.gather [hbm4b:s0+s18], $0x80, s30, s18, $0xb8;
	[tilespmem:$0x1EB00] =	vst v63  }
0x2d: {  	s31 =	simm.s32 $0x18280  }
0x2e: {  	[spmem:s3] =	stream.indirect.scatter.add.f32 [tilespmem:s20], [sflag:$0x2], $0x1, s31, s18, $0xb8;
	[tilespmem:$0x1EB00] =	vst v63  }
0x2f: {  	_ =	swait.ge [sflag:s14], $0x50  }
0x30: {  	[sflag:s14] =	ssyncset.done $0x0  }
0x31: {  	[sflag:s14] =	ssyncadd.s32 $0xFFFFFFB0  }
0x32: {  	_ =	swait.ge [sflag:s21], $0x2800  }
0x33: {  	[sflag:s21] =	ssyncset.done $0x0  }
0x34: {  	[sflag:s21] =	ssyncadd.s32 $0xFFFFD800  }
0x35: {  	[spmem:s2] =	stream.indirect.scatter.add.f32 [tilespmem:s19], [sflag:$0x2], $0x80, s31, s18, $0xb8;
	[tilespmem:$0x1EB00] =	vst v63  }
0x36: {  	_ =	swait.ge [sflag:s14], $0x2800  }
0x37: {  	s24 =	simm.s32 $0x400;
	s23 =	simm.s32 $0x80;
	[sflag:s14] =	ssyncset.done $0x0  }
.LBB2_2:
0x38: {  	s25 =	sadd.s32 $0x14280, s23  }
0x39: {  	[sflag:s14] =	ssyncadd.s32 $0xFFFFD800;
	s26 =	smov.u32 s24;
	s28 =	sadd.s32 $0x200, s24  }
0x3a: {  	[tilespmem:s19], [sflag:$0x1] =	stream.indirect.gather [hbm4b:s0+s18], $0x80, s25, s18, $0xb8;
	[tilespmem:$0x1EB00] =	vst v63  }
0x3b: {  	p1 =	sne.s32 s24, $0xF800;
	s23 =	sadd.s32 $0x18280, s23  }
0x3c: {  	[spmem:s3] =	stream.indirect.scatter.add.f32 [tilespmem:s20], [sflag:$0x2], $0x1, s23, s18, $0xb8;
	[tilespmem:$0x1EB00] =	vst v63  }
0x3d: {  	_ =	swait.ge [sflag:s14], $0x50  }
0x3e: {  	[sflag:s14] =	ssyncset.done $0x0  }
0x3f: {  	[sflag:s14] =	ssyncadd.s32 $0xFFFFFFB0  }
0x40: {  	_ =	swait.ge [sflag:s21], $0x2800  }
.Ltmp0:
0x41: {  	[sflag:s21] =	ssyncset.done $0x0;
	(pc) =	sbr.rel @p1 .LBB2_2-.Ltmp0, $4  }
0x42: {  	[sflag:s21] =	ssyncadd.s32 $0xFFFFD800  }
0x43: {  	[spmem:s2] =	stream.indirect.scatter.add.f32 [tilespmem:s19], [sflag:$0x2], $0x80, s23, s18, $0xb8;
	[tilespmem:$0x1EB00] =	vst v63  }
0x44: {  	_ =	swait.ge [sflag:s14], $0x2800  }
0x45: {  	s24 =	smov.u32 s28;
	s23 =	sshra.s32 s26, $0x2;
	[sflag:s14] =	ssyncset.done $0x0  }
0x46: {  	s24 =	sadd.s32 $0x14280, s23;
	[sflag:s14] =	ssyncadd.s32 $0xFFFFD800  }
0x47: {  	[tilespmem:s19], [sflag:$0x1] =	stream.indirect.gather [hbm4b:s0+s18], $0x80, s24, s18, $0xb8;
	[tilespmem:$0x1EB00] =	vst v63  }
0x48: {  	s31 =	sadd.s32 $0x18280, s23  }
0x49: {  	[spmem:s3] =	stream.indirect.scatter.add.f32 [tilespmem:s20], [sflag:$0x2], $0x1, s31, s18, $0xb8;
	[tilespmem:$0x1EB00] =	vst v63  }
0x4a: {  	_ =	swait.ge [sflag:s14], $0x50  }
0x4b: {  	[sflag:s14] =	ssyncset.done $0x0  }
0x4c: {  	[sflag:s14] =	ssyncadd.s32 $0xFFFFFFB0  }
0x4d: {  	_ =	swait.ge [sflag:s21], $0x2800  }
0x4e: {  	[sflag:s21] =	ssyncset.done $0x0  }
0x4f: {  	[sflag:s21] =	ssyncadd.s32 $0xFFFFD800  }
0x50: {  	[spmem:s2] =	stream.indirect.scatter.add.f32 [tilespmem:s19], [sflag:$0x2], $0x80, s31, s18, $0xb8;
	[tilespmem:$0x1EB00] =	vst v63  }
0x51: {  	_ =	swait.ge [sflag:s14], $0x2800  }
0x52: {  	[sflag:s14] =	ssyncset.done $0x0  }
0x53: {  	[sflag:s14] =	ssyncadd.s32 $0xFFFFD800  }
0x54: {  	[bflag:$0x0] =	sbarrier.arrive $0xFFFF  }
0x55: {  	[hbm:s10], [sflag:s7] =	dma.local [spmem:s13], $0x2800  }
0x56: {  	s23 =	simm.s32 @!p0 $0x1;
	_ =	swait.ge [sflag:s14], $0x2800  }
0x57: {  	s25 =	simm.s32 @!p0 $0x10;
	s22 =	sadd.s32 $0x1, s22;
	[sflag:s14] =	ssyncset.done $0x0  }
0x58: {  	s24 =	simm.s32 @!p0 $0x20;
	p1 =	sne.s32 s22, s12;
	[sflag:s14] =	ssyncadd.s32 $0xFFFFD800  }
0x59: {  	[hbm:s11@s24], [sflag:s7] =	dma.strided @!p0 [spmem:s15@s25], $0x500, s23, $0x10   }
.Ltmp1:
0x5a: {  	_ = 	snop;
	(pc) =	sbr.rel @p1 .LBB2_1-.Ltmp1, $4  }
0x5b: {  	s23 =	simm.s32 @!p0 $0x2  }
0x5c: {  	_ =	swait.ge @!p0 [sflag:s23], $0x500  }
0x5d: {  	[sflag:s23] =	ssyncset.done @!p0 $0x0  }
0x5e: {  	[sflag:s23] =	ssyncadd.s32 @!p0 $0xFFFFFB00  }
0x5f: {  	_ =	sfence.sel $0x180000  }
0x60: {  	[bflag:$0x0] =	sbarrier.arrive $0xFFFF  }
0x61: {  	_ =	strace $0x90000047  }
0x62: {  	s0 =	sadd.s32 @!p0 $0x100000, s1;
	[bflag:$0x2] =	sbarrier.arrive $0xFFFF  }
0x63: {  	[sflag:s0] =	ssyncadd.tile.s32 @!p0 $0x1;
	_ =	shalt  }
.Lfunc_end2:
_tile_overlayer_lowered:
.L_overlay_start_2:
0x64: {  	(tag) =	ssettag $0x2  }
0x65: {  	s0 =	rddreg [dreg:$0x0];
	s2 =	stileid.u32  }
0x66: {  	s1 =	rddreg [dreg:$0x1];
	p0 =	sne.s32 s2, $0x0  }
0x67: {  	s3 =	rddreg [dreg:$0x2];
	[bflag:$0x3] =	sbarrier.arrive $0xFFFF;
	s2 =	simm.s32 @!p0 $0x1C02  }
0x68: {  	[timem:s3], [sflag:s2] =	dma.local @!p0 [hbm:s0], s1  }
0x69: {  	s0 =	simm.s32 @!p0 $0x2  }
0x6a: {  	_ =	swait.ge @!p0 [sflag:s0], s1  }
0x6b: {  	s1 =	ssub.s32 @!p0 $0x0, s1;
	[sflag:s0] =	ssyncset.done @!p0 $0x0  }
0x6c: {  	[sflag:s0] =	ssyncadd.s32 @!p0 s1  }
0x6d: {  	[bflag:$0x3] =	sbarrier.arrive $0xFFFF  }
0x6e: {  	_ =	shalt  }

</sc_bundles>
